<compile_context>
chip_gen: v7x
topology: tpu7x:2x2x1
jax: 0.10.2.dev20260603
libtpu: 0.0.44.dev20260713+nightly
codegen_flags: <defaults>
</compile_context>

<pallas_src>
import jax
import jax.numpy as jnp
from jax.experimental import pallas as pl
from jax.experimental.pallas import tpu as pltpu

K = 32
STRIDE = 7
KH = KW = 14
PIX_BLOCK = 512


def _select_body(w_ref, p_ref, b_ref, o_ref):
    d = jnp.dot(
        w_ref[...],
        p_ref[0],
        preferred_element_type=jnp.float32,
        precision=jax.lax.Precision.DEFAULT,
    )
    d = d + b_ref[...]
    b = jax.lax.bitcast_convert_type(d, jnp.int32)
    keys = jnp.where(b < 0, b ^ jnp.int32(0x7FFFFFFF), b)

    bp = d.shape[1]
    lo0 = jnp.full((1, bp), jnp.iinfo(jnp.int32).min, jnp.int32)
    hi0 = jnp.full((1, bp), jnp.iinfo(jnp.int32).max, jnp.int32)

    def body(_, carry):
        lo, hi = carry
        mid = (lo >> 1) + (hi >> 1) + (lo & hi & 1)
        s = jnp.where(keys <= mid, 1, 0)
        h = s.shape[0] // 2
        while h >= 8:
            s = s[:h] + s[h:]
            h //= 2
        cnt = jnp.sum(s, axis=0, keepdims=True)
        pred = cnt >= K
        return jnp.where(pred, lo, mid + 1), jnp.where(pred, mid, hi)

    lo, _ = jax.lax.fori_loop(0, 32, body, (lo0, hi0))
    o_ref[0] = (keys <= lo).astype(jnp.float32)


def kernel(images, kernel, bias):
    n, c, h, w = images.shape
    co = kernel.shape[0]
    nbh = h // STRIDE
    nbw = w // STRIDE
    oh = nbh - 1
    ow = nbw - 1
    npix = oh * ow

    kdim = c * KH * KW
    kpad = -(-(kdim + 1) // 128) * 128
    npad = -(-npix // PIX_BLOCK) * PIX_BLOCK

    eye = jnp.eye(kdim, dtype=jnp.float32).reshape(kdim, c, KH, KW)
    pt = jax.lax.conv_general_dilated(
        images,
        eye,
        window_strides=(STRIDE, STRIDE),
        padding=((0, 0), (0, 0)),
        dimension_numbers=("NCHW", "OIHW", "NCHW"),
    )
    pt = pt.reshape(n, kdim, npix)
    pt = jnp.pad(pt, ((0, 0), (0, kpad - kdim), (0, npad - npix)))

    wm = kernel.reshape(co, kdim)
    wm = jnp.pad(wm, ((0, 0), (0, kpad - kdim)))

    nblocks = npad // PIX_BLOCK
    out = pl.pallas_call(
        _select_body,
        grid=(n, nblocks),
        in_specs=[
            pl.BlockSpec((co, kpad), lambda i, j: (0, 0)),
            pl.BlockSpec((1, kpad, PIX_BLOCK), lambda i, j: (i, 0, j)),
            pl.BlockSpec((co, 1), lambda i, j: (0, 0)),
        ],
        out_specs=pl.BlockSpec((1, co, PIX_BLOCK), lambda i, j: (i, 0, j)),
        out_shape=jax.ShapeDtypeStruct((n, co, npad), jnp.float32),
        interpret=False,
    )(wm, pt, bias.reshape(co, 1))

    return out[:, :, :npix].reshape(n, co, oh, ow)

# --- scband reference (transcript-rebuilt; emitter-appended) ---
"""Pipeline reference for scband-knearest-patches-embedding-8529805050215 (READ-ONLY COPY).

The authoritative reference and input builder live on the scoring server;
editing this copy changes nothing except your own understanding.
"""

import jax, jax.numpy as jnp
import numpy as np

STRIDE = 7
PADDING = 0
K = 32


def setup_inputs(seed: int = 0) -> dict:
    key = jax.random.key(seed)
    k1, k2, k3 = jax.random.split(key, 3)
    images = jax.random.normal(k1, (8, 3, 224, 224), dtype=jnp.float32)
    # kernel = patches dictionary (acts as conv weights, non-trainable buffer in torch)
    kernel = jax.random.normal(k2, (2048, 3, 14, 14), dtype=jnp.float32)
    # bias = squared norms of the dictionary patches (positive)
    bias = jax.random.uniform(k3, (2048,), dtype=jnp.float32)
    return {"images": images, "kernel": kernel, "bias": bias}


def reference(images, kernel, bias):
    # distances = F.conv2d(images, kernel, bias, stride, padding)
    distances = jax.lax.conv_general_dilated(
        images,
        kernel,
        window_strides=(STRIDE, STRIDE),
        padding=((PADDING, PADDING), (PADDING, PADDING)),
        dimension_numbers=("NCHW", "OIHW", "NCHW"),
    )
    distances = distances + bias[None, :, None, None]
    # kthvalue(k, dim=1, keepdim=True): k-th smallest along channel dim
    values = jnp.sort(distances, axis=1)[:, K - 1 : K, :, :]
    # mask of the k nearest patches (torch.le(distances, values).float())
    mask = jnp.where(distances <= values, 1.0, 0.0).astype(jnp.float32)
    return mask

if __name__ == "__main__":
    import jax
    _d = setup_inputs()
    print(jax.jit(kernel)(*tuple(_d.values())))

</pallas_src>

<mosaic_0001>
module attributes {stable_mosaic.version = 14 : i64} {
  func.func @_select_body(%arg0: i32, %arg1: i32, %arg2: memref<2048x640xf32, #tpu.memory_space<vmem>>, %arg3: memref<1x640x512xf32, #tpu.memory_space<vmem>>, %arg4: memref<2048x1xf32, #tpu.memory_space<vmem>>, %arg5: memref<1x2048x512xf32, #tpu.memory_space<vmem>>) attributes {dimension_semantics = [#tpu.dimension_semantics<arbitrary>, #tpu.dimension_semantics<arbitrary>], iteration_bounds = array<i64: 8, 2>, scalar_prefetch = 0 : i64, scratch_operands = 0 : i64, tpu.core_type = #tpu.core_type<tc>, window_params = [{pipeline_mode = #tpu.pipeline_mode<synchronous>, transform_indices = @transform_0, window_bounds = array<i64: 2048, 640>}, {transform_indices = @transform_1, window_bounds = array<i64: 1, 640, 512>}, {pipeline_mode = #tpu.pipeline_mode<synchronous>, transform_indices = @transform_2, window_bounds = array<i64: 2048, 1>}, {transform_indices = @transform_3, window_bounds = array<i64: 1, 2048, 512>}]} {
    %get3A = arith.constant 0 : index
    %get3A_0 = arith.constant 0 : index
    %get3A_1 = vector.load %arg2[%get3A, %get3A_0] : memref<2048x640xf32, #tpu.memory_space<vmem>>, vector<2048x640xf32>
    %get3A_2 = arith.constant 0 : index
    %get3A_3 = arith.constant 0 : index
    %get3A_4 = arith.constant 0 : index
    %get3A_5 = vector.load %arg3[%get3A_2, %get3A_3, %get3A_4] : memref<1x640x512xf32, #tpu.memory_space<vmem>>, vector<1x640x512xf32>
    %get3A_6 = vector.shape_cast %get3A_5 : vector<1x640x512xf32> to vector<640x512xf32>
    %dot_general3A = arith.constant dense<0.000000e+00> : vector<2048x512xf32>
    %dot_general3A_7 = tpu.matmul %get3A_1, %get3A_6, %dot_general3A {dimension_numbers = #tpu.dot_dimension_numbers<[1], [0], [0], [1], [0, 0, 1, 1], [], []>, transpose_lhs_hint = false} : vector<2048x640xf32>, vector<640x512xf32>, vector<2048x512xf32> -> vector<2048x512xf32>
    %get3A_8 = arith.constant 0 : index
    %get3A_9 = arith.constant 0 : index
    %get3A_10 = vector.load %arg4[%get3A_8, %get3A_9] : memref<2048x1xf32, #tpu.memory_space<vmem>>, vector<2048x1xf32>
    %add3A = vector.broadcast %get3A_10 : vector<2048x1xf32> to vector<2048x512xf32>
    %add3A_11 = arith.addf %dot_general3A_7, %add3A : vector<2048x512xf32>
    %bitcast_convert_type3A = tpu.bitcast %add3A_11 : vector<2048x512xf32> -> vector<2048x512xi32>
    %lt3A = arith.constant 0 : i32
    %lt3A_12 = vector.broadcast %lt3A : i32 to vector<2048x512xi32>
    %lt3A_13 = arith.cmpi slt, %bitcast_convert_type3A, %lt3A_12 : vector<2048x512xi32>
    %xor3A = arith.constant 2147483647 : i32
    %xor3A_14 = vector.broadcast %xor3A : i32 to vector<2048x512xi32>
    %xor3A_15 = arith.xori %bitcast_convert_type3A, %xor3A_14 : vector<2048x512xi32>
    %select_n3A = arith.select %lt3A_13, %xor3A_15, %bitcast_convert_type3A : vector<2048x512xi1>, vector<2048x512xi32>
    %broadcast_in_dim3A = arith.constant -2147483648 : i32
    %broadcast_in_dim3A_16 = vector.broadcast %broadcast_in_dim3A : i32 to vector<1x512xi32>
    %broadcast_in_dim3A_17 = arith.constant 2147483647 : i32
    %broadcast_in_dim3A_18 = vector.broadcast %broadcast_in_dim3A_17 : i32 to vector<1x512xi32>
    %scan3A = arith.constant 0 : i32
    %scan3A_19 = arith.constant 32 : i32
    %scan3A_20 = arith.addi %scan3A, %scan3A_19 : i32
    %scan3A_21 = arith.constant 1 : i32
    %scan3A_22:2 = scf.for %scan3A_30 = %scan3A to %scan3A_20 step %scan3A_21 iter_args(%scan3A_31 = %broadcast_in_dim3A_16, %scan3A_32 = %broadcast_in_dim3A_18) -> (vector<1x512xi32>, vector<1x512xi32>)  : i32 {
      %shift_right_arithmetic3A = arith.constant 1 : i32
      %shift_right_arithmetic3A_33 = vector.broadcast %shift_right_arithmetic3A : i32 to vector<1x512xi32>
      %shift_right_arithmetic3A_34 = arith.shrsi %scan3A_31, %shift_right_arithmetic3A_33 : vector<1x512xi32>
      %shift_right_arithmetic3A_35 = arith.constant 1 : i32
      %shift_right_arithmetic3A_36 = vector.broadcast %shift_right_arithmetic3A_35 : i32 to vector<1x512xi32>
      %shift_right_arithmetic3A_37 = arith.shrsi %scan3A_32, %shift_right_arithmetic3A_36 : vector<1x512xi32>
      %add3A_38 = arith.addi %shift_right_arithmetic3A_34, %shift_right_arithmetic3A_37 : vector<1x512xi32>
      %and3A = arith.andi %scan3A_31, %scan3A_32 : vector<1x512xi32>
      %and3A_39 = arith.constant 1 : i32
      %and3A_40 = vector.broadcast %and3A_39 : i32 to vector<1x512xi32>
      %and3A_41 = arith.andi %and3A, %and3A_40 : vector<1x512xi32>
      %add3A_42 = arith.addi %add3A_38, %and3A_41 : vector<1x512xi32>
      %le3A_43 = vector.broadcast %add3A_42 : vector<1x512xi32> to vector<2048x512xi32>
      %le3A_44 = arith.cmpi sle, %select_n3A, %le3A_43 : vector<2048x512xi32>
      %jit3A = arith.constant 1 : i32
      %jit3A_45 = arith.constant 0 : i32
      %broadcast_in_dim3A_46 = vector.broadcast %jit3A : i32 to vector<2048x512xi32>
      %broadcast_in_dim3A_47 = vector.broadcast %jit3A_45 : i32 to vector<2048x512xi32>
      %select_n3A_48 = arith.select %le3A_44, %broadcast_in_dim3A_46, %broadcast_in_dim3A_47 : vector<2048x512xi1>, vector<2048x512xi32>
      %slice3A = vector.extract_strided_slice %select_n3A_48 {offsets = [0, 0], sizes = [1024, 512], strides = [1, 1]} : vector<2048x512xi32> to vector<1024x512xi32>
      %slice3A_49 = vector.extract_strided_slice %select_n3A_48 {offsets = [1024, 0], sizes = [1024, 512], strides = [1, 1]} : vector<2048x512xi32> to vector<1024x512xi32>
      %add3A_50 = arith.addi %slice3A, %slice3A_49 : vector<1024x512xi32>
      %slice3A_51 = vector.extract_strided_slice %add3A_50 {offsets = [0, 0], sizes = [512, 512], strides = [1, 1]} : vector<1024x512xi32> to vector<512x512xi32>
      %slice3A_52 = vector.extract_strided_slice %add3A_50 {offsets = [512, 0], sizes = [512, 512], strides = [1, 1]} : vector<1024x512xi32> to vector<512x512xi32>
      %add3A_53 = arith.addi %slice3A_51, %slice3A_52 : vector<512x512xi32>
      %slice3A_54 = vector.extract_strided_slice %add3A_53 {offsets = [0, 0], sizes = [256, 512], strides = [1, 1]} : vector<512x512xi32> to vector<256x512xi32>
      %slice3A_55 = vector.extract_strided_slice %add3A_53 {offsets = [256, 0], sizes = [256, 512], strides = [1, 1]} : vector<512x512xi32> to vector<256x512xi32>
      %add3A_56 = arith.addi %slice3A_54, %slice3A_55 : vector<256x512xi32>
      %slice3A_57 = vector.extract_strided_slice %add3A_56 {offsets = [0, 0], sizes = [128, 512], strides = [1, 1]} : vector<256x512xi32> to vector<128x512xi32>
      %slice3A_58 = vector.extract_strided_slice %add3A_56 {offsets = [128, 0], sizes = [128, 512], strides = [1, 1]} : vector<256x512xi32> to vector<128x512xi32>
      %add3A_59 = arith.addi %slice3A_57, %slice3A_58 : vector<128x512xi32>
      %slice3A_60 = vector.extract_strided_slice %add3A_59 {offsets = [0, 0], sizes = [64, 512], strides = [1, 1]} : vector<128x512xi32> to vector<64x512xi32>
      %slice3A_61 = vector.extract_strided_slice %add3A_59 {offsets = [64, 0], sizes = [64, 512], strides = [1, 1]} : vector<128x512xi32> to vector<64x512xi32>
      %add3A_62 = arith.addi %slice3A_60, %slice3A_61 : vector<64x512xi32>
      %slice3A_63 = vector.extract_strided_slice %add3A_62 {offsets = [0, 0], sizes = [32, 512], strides = [1, 1]} : vector<64x512xi32> to vector<32x512xi32>
      %slice3A_64 = vector.extract_strided_slice %add3A_62 {offsets = [32, 0], sizes = [32, 512], strides = [1, 1]} : vector<64x512xi32> to vector<32x512xi32>
      %add3A_65 = arith.addi %slice3A_63, %slice3A_64 : vector<32x512xi32>
      %slice3A_66 = vector.extract_strided_slice %add3A_65 {offsets = [0, 0], sizes = [16, 512], strides = [1, 1]} : vector<32x512xi32> to vector<16x512xi32>
      %slice3A_67 = vector.extract_strided_slice %add3A_65 {offsets = [16, 0], sizes = [16, 512], strides = [1, 1]} : vector<32x512xi32> to vector<16x512xi32>
      %add3A_68 = arith.addi %slice3A_66, %slice3A_67 : vector<16x512xi32>
      %slice3A_69 = vector.extract_strided_slice %add3A_68 {offsets = [0, 0], sizes = [8, 512], strides = [1, 1]} : vector<16x512xi32> to vector<8x512xi32>
      %slice3A_70 = vector.extract_strided_slice %add3A_68 {offsets = [8, 0], sizes = [8, 512], strides = [1, 1]} : vector<16x512xi32> to vector<8x512xi32>
      %add3A_71 = arith.addi %slice3A_69, %slice3A_70 : vector<8x512xi32>
      %reduce_sum3A = arith.constant dense<0> : vector<512xi32>
      %reduce_sum3A_72 = vector.multi_reduction <add>, %add3A_71, %reduce_sum3A [0] : vector<8x512xi32> to vector<512xi32>
      %broadcast_in_dim3A_73 = vector.shape_cast %reduce_sum3A_72 : vector<512xi32> to vector<1x512xi32>
      %ge3A = arith.constant 32 : i32
      %ge3A_74 = vector.broadcast %ge3A : i32 to vector<1x512xi32>
      %ge3A_75 = arith.cmpi sge, %broadcast_in_dim3A_73, %ge3A_74 : vector<1x512xi32>
      %add3A_76 = arith.constant 1 : i32
      %add3A_77 = vector.broadcast %add3A_76 : i32 to vector<1x512xi32>
      %add3A_78 = arith.addi %add3A_42, %add3A_77 : vector<1x512xi32>
      %select_n3A_79 = arith.select %ge3A_75, %scan3A_31, %add3A_78 : vector<1x512xi1>, vector<1x512xi32>
      %select_n3A_80 = arith.select %ge3A_75, %add3A_42, %scan3A_32 : vector<1x512xi1>, vector<1x512xi32>
      scf.yield %select_n3A_79, %select_n3A_80 : vector<1x512xi32>, vector<1x512xi32>
    }
    %le3A = vector.broadcast %scan3A_22#0 : vector<1x512xi32> to vector<2048x512xi32>
    %le3A_23 = arith.cmpi sle, %select_n3A, %le3A : vector<2048x512xi32>
    %convert_element_type3A = arith.extui %le3A_23 : vector<2048x512xi1> to vector<2048x512xi32>
    %convert_element_type3A_24 = arith.sitofp %convert_element_type3A : vector<2048x512xi32> to vector<2048x512xf32>
    %swap3A = arith.constant 0 : index
    %swap3A_25 = arith.constant 0 : index
    %swap3A_26 = arith.constant 0 : index
    %swap3A_27 = vector.load %arg5[%swap3A, %swap3A_25, %swap3A_26] : memref<1x2048x512xf32, #tpu.memory_space<vmem>>, vector<1x2048x512xf32>
    %swap3A_28 = vector.shape_cast %swap3A_27 : vector<1x2048x512xf32> to vector<2048x512xf32>
    %swap3A_29 = vector.shape_cast %convert_element_type3A_24 : vector<2048x512xf32> to vector<1x2048x512xf32>
    tpu.vector_store %arg5[%swap3A, %swap3A_25, %swap3A_26], %swap3A_29 {strides = array<i32>} : memref<1x2048x512xf32, #tpu.memory_space<vmem>>, vector<1x2048x512xf32>,
    return
  }
  func.func @transform_0(%arg0: i32, %arg1: i32) -> (i32, i32) {
    %c0_i32 = arith.constant 0 : i32
    %c0_i32_0 = arith.constant 0 : i32
    %c0_i32_1 = arith.constant 0 : i32
    return %c0_i32, %c0_i32_0 : i32, i32
  }
  func.func @transform_1(%arg0: i32, %arg1: i32) -> (i32, i32, i32) {
    %c0_i32 = arith.constant 0 : i32
    %c0_i32_0 = arith.constant 0 : i32
    return %arg0, %c0_i32, %arg1 : i32, i32, i32
  }
  func.func @transform_2(%arg0: i32, %arg1: i32) -> (i32, i32) {
    %c0_i32 = arith.constant 0 : i32
    %c0_i32_0 = arith.constant 0 : i32
    %c0_i32_1 = arith.constant 0 : i32
    return %c0_i32, %c0_i32_0 : i32, i32
  }
  func.func @transform_3(%arg0: i32, %arg1: i32) -> (i32, i32, i32) {
    %c0_i32 = arith.constant 0 : i32
    %c0_i32_0 = arith.constant 0 : i32
    return %arg0, %c0_i32, %arg1 : i32, i32, i32
  }
}

</mosaic_0001>

<sc_bundles>
// kernel: sparse-core-data-format-call.cloned.1.call-start
scs
called_computation_lowered:
.L_overlay_start_0:
0x0: {  	s2 =	sld [smem:$0x3FD9]  }
0x1: {  	s3 =	sld [smem:$0x3FFE];
	_ =	sdelay $0x1  }
0x2: {  	s1 =	srdreg.scid  }
0x3: {  	s0 =	sand.u32 $0x1, s1  }
0x4: {  	s18 =	sshll.u32 s0, $0xA;
	s2 =	sadd.s32 s3, s2  }
0x5: {  	s2 =	sadd.s32 s2, s18  }
0x6: {  	[smem:$0x3FC5] =	sst s2  }
0x7: {  	_ = 	snop  }
0x8: {  	s2 =	sld [smem:$0x3FD0];
	(tm) =	ssettm $0x1  }
0x9: {  	s19 =	sld [smem:$0x3FFB];
	_ =	sdelay $0x3  }
0xa: {  	_ =	strace s19  }
0xb: {  	s3 =	sld [smem:$0x3FFC];
	_ =	sdelay $0x3  }
0xc: {  	_ =	strace s3  }
0xd: {  	s3 =	sld [smem:$0x3FFD];
	_ =	sdelay $0x3  }
0xe: {  	_ =	strace s3  }
0xf: {  	_ =	strace $0x8FFFFFFF  }
0x10: {  	s20 =	sld [smem:$0x3FDB];
	_ =	sdelay $0x1  }
0x11: {  	s4 =	simm.s32 $_scs_section_size  }
0x12: {  	s5 =	simm.s32 $_size__tile_overlayer_lowered;
	s6 =	simm.s32 $_tile_overlayer_lowered  }
0x13: {  	s23 =	simm.s32 $0x1BFF;
	s22 =	sshll.u32 s6, $0x1;
	s3 =	sadd.s32 s4, s20  }
0x14: {  	s7 =	simm.s32 $0x0;
	s21 =	sshll.u32 s5, $0x1;
	s5 =	sadd.s32 s22, s3  }
0x15: {  	[timem:s7], [sflag:s23] =	dma.local [hbm:s5], s21  }
0x16: {  	_ =	swait.ge [sflag:s23], s21  }
0x17: {  	s4 =	ssub.s32 $0x0, s21;
	[sflag:s23] =	ssyncset.done $0x0  }
0x18: {  	[sflag:s23] =	ssyncadd.s32 s4;
	_ =	sdelay $0x1  }
0x19: {  	s24 =	simm.s32 $0x1B8B  }
0x1a: {  	_ =	swait.ge [sflag:s24], $0x1  }
0x1b: {  	[sflag:s24] =	ssyncset.done $0x0  }
0x1c: {  	s26 =	simm.s32 $0x1B8E;
	s25 =	sld [smem:$0x3FFE];
	[sflag:s24] =	ssyncadd.s32 $0xFFFFFFFF  }
0x1d: {  	s27 =	simm.s32 $execute0_lowered;
	[smem:$0x3FD2] =	sst s26  }
0x1e: {  	s5 =	sshll.u32 s27, $0x1;
	_ =	strace $0x80000046;
	[dreg:$0x1] =	wrdreg $0xFFFFFFFF  }
0x1f: {  	s28 =	simm.s32 $_size_execute0_lowered;
	s3 =	sadd.s32 s3, s5;
	[dreg:$0x0] =	wrdreg $0x0  }
0x20: {  	s5 =	sshll.u32 s28, $0x1;
	[dreg:$0x2] =	wrdreg s3  }
0x21: {  	[dreg:$0x3] =	wrdreg s5  }
0x22: {  	[dreg:$0x4] =	wrdreg $0xC0  }
0x23: {  	_ =	task [dreg:s7], $0x5FFFF  }
0x24: {  	[dreg:$0x1] =	wrdreg $0xFFFFFFFF  }
0x25: {  	[dreg:$0x0] =	wrdreg $0x60  }
0x26: {  	[dreg:$0x2] =	wrdreg s25  }
0x27: {  	[dreg:$0x3] =	wrdreg s2  }
0x28: {  	[dreg:$0x4] =	wrdreg $0x9  }
0x29: {  	_ =	task.clear_ibuf [dreg:s7], $0x5FFFF;
	_ =	strace $0x90000046  }
0x2a: {  	s29 =	simm.s32 $0x9;
	_ =	strace $0x80000048  }
0x2b: {  	_ =	swait.ge [sflag:s29], $0x1  }
0x2c: {  	[sflag:s29] =	ssyncadd.s32 $0xFFFFFFFF  }
0x2d: {  	_ =	strace $0x90000048  }
0x2e: {  	_ =	sfence  }
0x2f: {  	s30 =	sld [smem:$0x0];
	_ =	sdelay $0x2  }
0x30: {  	s31 =	sshll.u32 s1, $0xD;
	s1 =	sshrl.u32 s1, $0x2  }
0x31: {  	s3 =	sand.u32 $0x4000, s31;
	s1 =	sadd.s32 s1, s30  }
0x32: {  	s0 =	sor.u32 s3, s0;
	s1 =	sshll.u32 s1, $0x11  }
0x33: {  	s0 =	sor.u32 s1, s0  }
0x34: {  	s0 =	sadd.s32 $0x8F2B, s0  }
0x35: {  	[sflag:s0] =	ssyncadd.remote.s32 $0x1  }
0x36: {  	_ =	sfence.sel $0xFFFF  }
0x37: {  	[dreg:$0x0] =	wrdreg $0xFFFFFFFF;
	(pc) =	sbr.abs _section_cstart, $3  }
0x38: {  	[dreg:$0x1] =	wrdreg $0xFFFFFFFF  }
0x39: {  	_ =	task.clear_ibuf [dreg:s7], $0x2FFFF;
	_ =	strace $0x9FFFFFFF  }
0x3a: {  	(tm) =	ssettm $0x7FFFFFFF  }
0x3b: {  	_ =	shalt  }
tec
execute0_lowered:
.L_overlay_start_1:
0x0: {  	(tag) =	ssettag $0x1  }
0x1: {  	s0 =	stileid.u32;
	s4 =	rddreg [dreg:$0x0]  }
0x2: {  	s1 =	srdreg.scid;
	s3 =	rddreg [dreg:$0x1];
	s7 =	simm.s32 $0x1  }
0x3: {  	s31 =	simm.s32 $0x2;
	s18 =	simm.s32 $0x0;
	s9 =	simm.s32 $0x4000  }
0x4: {  	s17 =	simm.s32 $0x0;
	s2 =	sshll.u32 s0, $0x4;
	s1 =	sshll.u32 s1, $0x8  }
0x5: {  	s19 =	simm.s32 $0x0;
	s10 =	simm.s32 $0x0;
	s1 =	sor.u32 s2, s1  }
0x6: {  	s11 =	simm.s32 $0x0;
	s12 =	simm.s32 $0x0;
	s2 =	sand.u32 $0x180, s1  }
0x7: {  	s13 =	simm.s32 $0x0;
	s16 =	simm.s32 $0x0;
	s5 =	ssub.s32 $0x800, s2  }
0x8: {  	s4 =	sadd.s32 $0x1600, s4;
	s1 =	rddreg [dreg:$0x2];
	s6 =	sand.u32 $0x180, s5  }
.Ltmp0:
0x9: {  	_ =	strace $0x80000047;
	p0 =	sne.s32 s6, $0x0;
	(pc) =	sbr.rel .LBB1_1-.Ltmp0, $4  }
0xa: {  	s14 =	smov.u32 s2;
	s8 =	sshrl.u32 s5, $0x9;
	s7 =	simm.s32 @!p0 $0x0  }
0xb: {  	s5 =	sand.u32 $0x7, s0;
	s6 =	simm.s32 $0x1;
	s7 =	sadd.s32 s7, s8  }
0xc: {  	s15 =	smov.u32 s5;
	[sflag:s6] =	ssyncpa.u1 $0x0;
	s7 =	sshll.u32 s7, $0x3  }
0xd: {  	p0 =	por $0x0, $0x0;
	[sflag:s31] =	ssyncpa.u1 $0x0;
	s8 =	sor.u32 $0x1, s7  }
.LBB1_4:
0xe: {  	s24 =	sshra.s32 s24, $0x2;
	p1 =	sgt.s32 s10, $0x341;
	s25 =	smov.u32 s10  }
0xf: {  	p2 =	sgt.s32 s12, $0x7;
	s26 =	smov.u32 s12;
	s29 =	sshra.s32 s12, $0x1F  }
0x10: {  	s27 =	smov.u32 s11;
	s28 =	sshra.s32 s11, $0x1F;
	s23 =	sadd.s32 s24, s23  }
0x11: {  	s25 =	simm.s32 @!p1 $0x341;
	s26 =	simm.s32 @!p2 $0x7;
	p1 =	sgt.s32 s11, $0x780  }
0x12: {  	v5 =	vld [tilespmem:s21+$0xFFFFFFD0];
	s24 =	sand.u32 s29, s12;
	s28 =	sand.u32 s28, s11;
	s27 =	simm.s32 @!p1 $0x780  }
0x13: {  	[tilespmem:s22+$0x2040 ss:$0x81] =	vst.msk $0xffff, v4;
	v58 =	vld [tilespmem:s21+$0xFFFFFFE0];
	s29 =	sshra.s32 s10, $0x1F;
	s24 =	ssub.s32 s26, s24;
	s26 =	ssub.s32 s27, s28  }
0x14: {  	[tilespmem:s22+$0x2850 ss:$0x81] =	vst.msk $0xffff, v3;
	v59 =	vld [tilespmem:s21+$0xFFFFFFF0];
	s27 =	sand.u32 s29, s10;
	s30 =	sadd.s32 $0xFFFFFFF9, s24;
	s24 =	ssub.s32 $0x8, s24  }
0x15: {  	[tilespmem:s22+$0x3060 ss:$0x81] =	vst.msk $0xffff, v2;
	v60 =	vld [tilespmem:s21+$0x0];
	s28 =	sand.u32 $0x78, s11;
	s29 =	sshll.u32 s12, $0x7;
	s31 =	sadd.s32 $0xFFFFF880, s26  }
0x16: {  	[tilespmem:s22+$0x0 ss:$0x81] =	vst.msk $0xffff, v1;
	v61 =	vld [tilespmem:s21+$0x10];
	s25 =	ssub.s32 s25, s27;
	p1 =	sgt.s32 s30, $0x0;
	s26 =	ssub.s32 $0x800, s26  }
0x17: {  	v62 =	vld [tilespmem:s21+$0x20];
	[tilespmem:s23+$0x3870 ss:$0x81] =	vst.msk $0xffff, v0;
	s30 =	sshll.u32 s11, $0x3;
	p2 =	sgt.s32 s31, $0x7F;
	s27 =	sadd.s32 $0xFFFFFCBF, s25  }
0x18: {  	v63 =	vld [tilespmem:s21+$0xFFFFFFC0];
	s24 =	simm.s32 @p1 $0x0;
	[tilespmem:s23+$0x810 ss:$0x81] =	vst.msk $0xffff, v5;
	s25 =	ssub.s32 $0x3C1, s25;
	s21 =	sand.u32 $0x400, s30  }
0x19: {  	[tilespmem:s23+$0x1020 ss:$0x81] =	vst.msk $0xffff, v58;
	s26 =	simm.s32 @p2 $0x0;
	p1 =	sgt.s32 s27, $0x7F;
	s27 =	sand.u32 $0x700, s11  }
0x1a: {  	[tilespmem:s23+$0x1830 ss:$0x81] =	vst.msk $0xffff, v59;
	s24 =	smul.u32 s24, s26;
	s26 =	sand.u32 $0x380, s29;
	s25 =	simm.s32 @p1 $0x0  }
0x1b: {  	[tilespmem:s23+$0x2040 ss:$0x81] =	vst.msk $0xffff, v60;
	s29 =	sand.u32 $0x7, s11;
	s22 =	sor.u32 s26, s28;
	s28 =	sshll.u32 s10, $0xB  }
0x1c: {  	[tilespmem:s23+$0x2850 ss:$0x81] =	vst.msk $0xffff, v61;
	s21 =	sor.u32 s21, s22;
	s31 =	smul.u32 s25, s24;
	s24 =	sadd.s32 s3, s27  }
0x1d: {  	[tilespmem:s23+$0x3060 ss:$0x81] =	vst.msk $0xffff, v62;
	s30 =	sshll.u32 s29, $0x12;
	s24 =	sadd.s32 s28, s24;
	s21 =	sshrl.u32 s21, $0x3  }
0x1e: {  	[tilespmem:s23+$0x0 ss:$0x81] =	vst.msk $0xffff, v63;
	s22 =	sand.u32 $0x3FFFFFFF, s31;
	s21 =	sadd.s32 s21, s24;
	s31 =	sor.u32 $0x80, s30  }
0x1f: {  	[hbm4b:s21+s31] =	stream.strided.scatter [tilespmem:s20], [sflag:$0x2], s22, s9, s31, $0x20;
	[tilespmem:$0x10100] =	vst v63  }
.LBB1_5:
0x20: {  	p1 =	slt.u32 s16, $0x2;
	s21 =	smov.u32 s19  }
0x21: {  	p2 =	sgt.s32 @!p1 s18, $0x341;
	s20 =	sshra.s32 @!p1 s18, $0x1F;
	p3 =	sgt.s32 @!p1 s19, $0x7  }
0x22: {  	s22 =	sshra.s32 @!p1 s19, $0x1F;
	p2 =	por !p2, p1;
	s20 =	sand.u32 @!p1 s20, s18  }
0x23: {  	p3 =	por !p3, p1;
	s19 =	sand.u32 @!p1 s22, s19;
	s22 =	sshra.s32 @!p1 s17, $0x1F  }
0x24: {  	s21 =	simm.s32 @p3 $0x7;
	p3 =	sgt.s32 @!p1 s17, $0x780;
	s18 =	simm.s32 @p2 $0x341  }
0x25: {  	s19 =	ssub.s32 @!p1 s21, s19;
	p3 =	por !p3, p1;
	s21 =	smov.u32 s17  }
0x26: {  	s17 =	sand.u32 @!p1 s22, s17;
	s18 =	ssub.s32 @!p1 s18, s20;
	s21 =	simm.s32 @p3 $0x780  }
0x27: {  	s20 =	sadd.s32 @!p1 $0xFFFFFFF9, s19;
	s19 =	ssub.s32 @!p1 $0x8, s19;
	s17 =	ssub.s32 @!p1 s21, s17  }
0x28: {  	s21 =	sadd.s32 @!p1 $0xFFFFFCBF, s18;
	p2 =	sgt.s32 @!p1 s20, $0x0;
	s20 =	sadd.s32 @!p1 $0xFFFFF880, s17  }
0x29: {  	s18 =	ssub.s32 @!p1 $0x3C1, s18;
	p2 =	por !p2, p1;
	p3 =	sgt.s32 @!p1 s20, $0x7F  }
0x2a: {  	s17 =	ssub.s32 @!p1 $0x800, s17;
	s19 =	simm.s32 @!p2 $0x0;
	p2 =	por !p3, p1  }
0x2b: {  	s20 =	sadd.s32 $0x80, s13;
	p3 =	sgt.s32 @!p1 s21, $0x7F;
	s17 =	simm.s32 @!p2 $0x0  }
0x2c: {  	s21 =	smov.u32 s14;
	p2 =	por !p3, p1;
	s17 =	smul.u32 @!p1 s19, s17  }
0x2d: {  	s18 =	simm.s32 @!p2 $0x0;
	p2 =	sgt.s32 s20, $0x3C0;
	s19 =	sadd.s32 $0x200, s14  }
0x2e: {  	s22 =	smov.u32 s15;
	s21 =	smov.u32 @p2 s19  }
0x2f: {  	s17 =	smul.u32 @!p1 s18, s17;
	p3 =	sgt.s32 s21, $0x7FF;
	s18 =	sadd.s32 $0x8, s15  }
0x30: {  	p0 =	por !p0, !p0;
	s23 =	simm.s32 @!p1 $0x2;
	s22 =	smov.u32 @p3 s18  }
0x31: {  	s20 =	simm.s32 @p2 $0x0;
	s19 =	smov.u32 s12;
	p2 =	sgt.s32 s22, $0x7  }
0x32: {  	s12 =	smov.u32 s15;
	s22 =	smov.u32 @p2 s5;
	p2 =	sne.s32 s16, s8  }
.Ltmp1:
0x33: {  	s21 =	smov.u32 @p3 s2;
	s18 =	smov.u32 s10;
	(pc) =	sbr.rel @!p2 .LBB1_6-.Ltmp1, $4  }
0x34: {  	s10 =	smov.u32 s13;
	s13 =	smov.u32 s20;
	s17 =	sand.u32 @!p1 $0x3FFFFFFF, s17  }
0x35: {  	_ =	swait.ge @!p1 [sflag:s23], s17;
	s24 =	ssub.s32 @!p1 $0x0, s17;
	s17 =	smov.u32 s11  }
0x36: {  	s16 =	sadd.s32 $0x1, s16;
	s11 =	smov.u32 s14;
	[sflag:s23] =	ssyncset.done @!p1 $0x0  }
0x37: {  	s14 =	smov.u32 s21;
	s15 =	smov.u32 s22;
	[sflag:s23] =	ssyncadd.s32 @!p1 s24  }
.LBB1_1:
0x38: {  	p1 =	sge.u32 s16, s7  }
0x39: {  	s31 =	sadd.s32 $0xFFFFFFFF, s16;
	s20 =	sshll.u32 @!p1 s14, $0x7  }
0x3a: {  	s21 =	sxor.u32 @!p1 $0xFFFFFFFF, s16;
	s22 =	sand.u32 @!p1 $0x78, s13;
	s23 =	sand.u32 @!p1 $0x380, s20  }
0x3b: {  	s21 =	sshll.u32 @!p1 s21, $0xE;
	s22 =	sor.u32 @!p1 s22, s23;
	s23 =	sshll.u32 @!p1 s15, $0x12  }
0x3c: {  	s20 =	sand.u32 @!p1 $0x3FC00, s20;
	s22 =	sshrl.u32 @!p1 s22, $0x3;
	s23 =	sadd.s32 @!p1 s4, s23  }
0x3d: {  	s20 =	sadd.s32 @!p1 s13, s20;
	s22 =	sadd.s32 @!p1 s22, s23;
	s23 =	sand.u32 @!p1 $0x7, s13  }
0x3e: {  	s21 =	sand.u32 @!p1 $0x4000, s21;
	s20 =	sand.u32 @!p1 $0x3FF80, s20;
	s23 =	sshll.u32 @!p1 s23, $0x12  }
0x3f: {  	s20 =	sadd.s32 @!p1 s20, s22;
	s22 =	sor.u32 @!p1 $0x400, s23;
	s23 =	simm.s32 @!p1 $0x2000  }
0x40: {  	[tilespmem:s21], [sflag:$0x1] =	stream.strided.gather @!p1 [hbm4b:s20+s22], $0x4000, s23, s22, $0x38;
	[tilespmem:$0x10100] =	vst v63  }
0x41: {  	p1 =	sge.u32 s31, s7  }
.Ltmp2:
0x42: {  	_ = 	snop;
	(pc) =	sbr.rel @p1 .LBB1_5-.Ltmp2, $1  }
0x43: {  	_ =	sdelay $0x3  }
0x44: {  	s20 =	simm.s32 $0x1  }
0x45: {  	_ =	swait.ge [sflag:s6], $0x4000;
	s20 =	simm.s32 @!p0 $0x0  }
0x46: {  	[sflag:s6] =	ssyncset.done $0x0;
	s21 =	sshll.u32 s20, $0xE  }
0x47: {  	[sflag:s6] =	ssyncadd.s32 $0xFFFFC000;
	s21 =	sor.u32 $0x40, s21  }
0x48: {  	s20 =	smul.u32 $0x10200, s20;
	v0 =	vld [tilespmem:s21+$0x30]  }
0x49: {  	v1 =	vld [tilespmem:s21+$0xFFFFFFD0]  }
0x4a: {  	s20 =	sshrl.u32 s20, $0x2;
	v5 =	vld [tilespmem:s21+$0xFFFFFFE0]  }
0x4b: {  	v6 =	vld [tilespmem:s21+$0xFFFFFFF0];
	s23 =	sor.u32 $0x8000, s20  }
0x4c: {  	s31 =	sand.u32 $0x1, s16;
	v4 =	vld [tilespmem:s21+$0x0];
	s22 =	sadd.s32 $0x0, s23  }
0x4d: {  	v3 =	vld [tilespmem:s21+$0x10];
	s20 =	smul.u32 $0x10200, s31;
	[tilespmem:s22+$0x3870 ss:$0x81] =	vst.msk $0xffff, v0  }
0x4e: {  	v2 =	vld [tilespmem:s21+$0x20];
	[tilespmem:s22+$0x810 ss:$0x81] =	vst.msk $0xffff, v1  }
0x4f: {  	s20 =	sshrl.u32 s20, $0x2;
	v1 =	vld [tilespmem:s21+$0xFFFFFFC0];
	[tilespmem:s22+$0x1020 ss:$0x81] =	vst.msk $0xffff, v5;
	s21 =	sadd.s32 $0x80, s21  }
0x50: {  	s24 =	simm.s32 $0x4;
	s25 =	simm.s32 $0x8;
	s20 =	sor.u32 $0x8000, s20;
	[tilespmem:s22+$0x1830 ss:$0x81] =	vst.msk $0xffff, v6;
	v0 =	vld [tilespmem:s21+$0x30]  }
.LBB1_3:
0x51: {  	p1 =	sne.s32 s25, $0x1FC;
	v5 =	vld [tilespmem:s21+$0xFFFFFFD0];
	[tilespmem:s22+$0x2040 ss:$0x81] =	vst.msk $0xffff, v4  }
0x52: {  	v6 =	vld [tilespmem:s21+$0xFFFFFFE0];
	[tilespmem:s22+$0x2850 ss:$0x81] =	vst.msk $0xffff, v3  }
0x53: {  	s26 =	sshra.s32 s24, $0x2;
	s24 =	smov.u32 s25;
	v7 =	vld [tilespmem:s21+$0xFFFFFFF0];
	[tilespmem:s22+$0x3060 ss:$0x81] =	vst.msk $0xffff, v2  }
.Ltmp3:
0x54: {  	v4 =	vld [tilespmem:s21+$0x0];
	[tilespmem:s22+$0x0 ss:$0x81] =	vst.msk $0xffff, v1;
	s22 =	sadd.s32 s26, s23;
	(pc) =	sbr.rel @p1 .LBB1_3-.Ltmp3, $4  }
0x55: {  	v3 =	vld [tilespmem:s21+$0x10];
	[tilespmem:s22+$0x3870 ss:$0x81] =	vst.msk $0xffff, v0  }
0x56: {  	[tilespmem:s22+$0x810 ss:$0x81] =	vst.msk $0xffff, v5;
	v2 =	vld [tilespmem:s21+$0x20]  }
0x57: {  	v1 =	vld [tilespmem:s21+$0xFFFFFFC0];
	[tilespmem:s22+$0x1020 ss:$0x81] =	vst.msk $0xffff, v6;
	s21 =	sadd.s32 $0x80, s21  }
0x58: {  	s25 =	sadd.s32 $0x4, s25;
	v0 =	vld [tilespmem:s21+$0x30];
	[tilespmem:s22+$0x1830 ss:$0x81] =	vst.msk $0xffff, v7  }
.Ltmp4:
0x59: {  	_ = 	snop;
	(pc) =	sbr.rel .LBB1_4-.Ltmp4, $1  }
0x5a: {  	_ =	sdelay $0x3  }
.LBB1_6:
0x5b: {  	_ =	sfence.sel $0x180000  }
0x5c: {  	s2 =	simm.s32 $0x1;
	[bflag:$0x0] =	sbarrier.arrive $0xFFFF  }
0x5d: {  	s31 =	simm.s32 $0x2;
	[sflag:s2] =	ssyncpa.u1 $0x1  }
0x5e: {  	[sflag:s31] =	ssyncpa.u1 $0x1  }
0x5f: {  	p0 =	sne.s32 s0, $0x0;
	_ =	strace $0x90000047  }
0x60: {  	s0 =	sadd.s32 @!p0 $0x100000, s1;
	[bflag:$0x2] =	sbarrier.arrive $0xFFFF  }
0x61: {  	[sflag:s0] =	ssyncadd.tile.s32 @!p0 $0x1;
	_ =	shalt  }
.Lfunc_end1:
_tile_overlayer_lowered:
.L_overlay_start_2:
0x62: {  	(tag) =	ssettag $0x2  }
0x63: {  	s0 =	rddreg [dreg:$0x0];
	s2 =	stileid.u32  }
0x64: {  	s1 =	rddreg [dreg:$0x1];
	p0 =	sne.s32 s2, $0x0  }
0x65: {  	s3 =	rddreg [dreg:$0x2];
	[bflag:$0x3] =	sbarrier.arrive $0xFFFF;
	s2 =	simm.s32 @!p0 $0x1C01  }
0x66: {  	[timem:s3], [sflag:s2] =	dma.local @!p0 [hbm:s0], s1  }
0x67: {  	s0 =	simm.s32 @!p0 $0x1  }
0x68: {  	_ =	swait.ge @!p0 [sflag:s0], s1  }
0x69: {  	s1 =	ssub.s32 @!p0 $0x0, s1;
	[sflag:s0] =	ssyncset.done @!p0 $0x0  }
0x6a: {  	[sflag:s0] =	ssyncadd.s32 @!p0 s1  }
0x6b: {  	[bflag:$0x3] =	sbarrier.arrive $0xFFFF  }
0x6c: {  	_ =	shalt  }

</sc_bundles>
